<compile_context>
chip_gen: v7x
topology: tpu7x:2x2x1
jax: 0.10.2.dev20260603
libtpu: 0.0.44.dev20260713+nightly
codegen_flags: <defaults>
</compile_context>

<pallas_src>
import jax
import jax.numpy as jnp
import numpy as np
from jax import lax
from jax.experimental import pallas as pl
from jax.experimental.pallas import tpu as pltpu
from jax.experimental.pallas import tpu_sc as plsc

_B = 64
_T = 160000
_N = 2 * _B

_NC, _NS = 2, 16
_NW = _NC * _NS
_CH = 3200
_NCH = _T // _CH
_NCHT = _N * _NCH
_CPW = _NCHT // _NW
_G = 8
_STEPS = _CPW // _G

def _threefry2x32(k0, k1, x0, x1):
    rotations = [[13, 15, 26, 6], [17, 29, 16, 24]]

    def rol(x, d):
        return ((x << np.uint32(d)) | (x >> np.uint32(32 - d))).astype(np.uint32)

    ks = [np.uint32(k0), np.uint32(k1),
          np.uint32(np.uint32(k0) ^ np.uint32(k1) ^ np.uint32(0x1BD11BDA))]
    x = [x0.astype(np.uint32) + ks[0], x1.astype(np.uint32) + ks[1]]
    for i in range(5):
        for r in rotations[i % 2]:
            x[0] = (x[0] + x[1]).astype(np.uint32)
            x[1] = rol(x[1], r)
            x[1] = x[1] ^ x[0]
        x[0] = (x[0] + ks[(i + 1) % 3]).astype(np.uint32)
        x[1] = (x[1] + ks[(i + 2) % 3] + np.uint32(i + 1)).astype(np.uint32)
    return x


def _gather_idx() -> np.ndarray:
    old = np.seterr(over="ignore")
    r0, r1 = _threefry2x32(0, 42, np.zeros(_B, np.uint32), np.arange(_B, dtype=np.uint32))
    np.seterr(**old)
    bits = r0 ^ r1
    u = ((bits >> np.uint32(9)) | np.uint32(0x3F800000)).view(np.float32) - np.float32(1.0)
    perm = np.argsort(u, kind="stable")
    return np.concatenate([perm, _B + np.arange(_B)]).astype(np.int32)


def _chunk_idx() -> np.ndarray:
    g = _gather_idx()
    return (g[:, None] * _NCH + np.arange(_NCH)[None, :]).reshape(-1).astype(np.int32)


def _sc_body(cidx_hbm, src_hbm, out_hbm, idx_v, bufs, in_sems, out_sems):
    wid = lax.axis_index("s") * _NC + lax.axis_index("c")
    base = wid * _CPW
    pltpu.sync_copy(cidx_hbm.at[pl.ds(base, _CPW)], idx_v)

    def in_cp(g, b):
        return pltpu.make_async_copy(
            src_hbm.at[idx_v.at[pl.ds(g * _G, _G)]], bufs.at[b], in_sems.at[b])

    def out_cp(g, b):
        return pltpu.make_async_copy(
            bufs.at[b], out_hbm.at[pl.ds(base + g * _G, _G)], out_sems.at[b])

    in_cp(0, 0).start()
    in_cp(1, 1).start()

    def step(h, c):
        for b in range(2):
            g = h * 2 + b
            in_cp(g, b).wait()
            out_cp(g, b).start()

            @pl.when(g + 2 < _STEPS)
            def _refill():
                out_cp(g, b).wait()
                in_cp(g + 2, b).start()

        return c

    lax.fori_loop(0, _STEPS // 2, step, 0)
    if _STEPS % 2:
        g = _STEPS - 1
        in_cp(g, 0).wait()
        out_cp(g, 0).start()
        out_cp(_STEPS - 2, 1).wait()
        out_cp(_STEPS - 1, 0).wait()
    else:
        out_cp(_STEPS - 2, 0).wait()
        out_cp(_STEPS - 1, 1).wait()


def kernel(sources):
    cidx = jnp.asarray(_chunk_idx())
    src = sources.reshape(_NCHT, _CH)
    mesh = plsc.VectorSubcoreMesh(core_axis_name="c", subcore_axis_name="s")
    out = pl.kernel(
        _sc_body,
        out_type=jax.ShapeDtypeStruct((_NCHT, _CH), jnp.float32),
        mesh=mesh,
        scratch_types=[
            pltpu.VMEM((_CPW,), jnp.int32),
            pltpu.VMEM((2, _G, _CH), jnp.float32),
            pltpu.SemaphoreType.DMA((2,)),
            pltpu.SemaphoreType.DMA((2,)),
        ],
    )(cidx, src)
    return out.reshape(2, _B, 1, _T)

# --- scband reference (transcript-rebuilt; emitter-appended) ---
"""Pipeline reference for scband-remix-34076270527165 (READ-ONLY COPY).

The authoritative reference and input builder live on the scoring server;
editing this copy changes nothing except your own understanding.
"""

import jax, jax.numpy as jnp
import numpy as np


def setup_inputs(seed: int = 0) -> dict:
    key = jax.random.key(seed)
    sources = jax.random.normal(key, (2, 64, 1, 160000), dtype=jnp.float32)
    return {"sources": sources}


def reference(sources):
    # sources: [2, bs, C, T] -> (noise, clean)
    noise = sources[0]
    clean = sources[1]
    bs = noise.shape[0]
    # torch.argsort(torch.rand(bs)) == random permutation of batch indices
    pkey = jax.random.key(42)
    perm = jnp.argsort(jax.random.uniform(pkey, (bs,)))
    return jnp.stack([jnp.take(noise, perm, axis=0), clean])

if __name__ == "__main__":
    import jax
    _d = setup_inputs()
    print(jax.jit(kernel)(*tuple(_d.values())))

</pallas_src>

<mosaic_0001>
#map = affine_map<(d0, d1) -> (0)>
#map1 = affine_map<(d0, d1) -> (0, 0)>
module attributes {stable_mosaic.version = 14 : i64} {
  func.func @_sc_body(%arg0: i32, %arg1: i32, %arg2: memref<6400xi32, #tpu.memory_space<hbm>>, %arg3: memref<6400x3200xf32, #tpu.memory_space<hbm>>, %arg4: memref<6400x3200xf32, #tpu.memory_space<hbm>>, %arg5: memref<200xi32, #tpu.memory_space<vmem>>, %arg6: memref<2x8x3200xf32, #tpu.memory_space<vmem>>, %arg7: memref<2x!tpu.dma_semaphore, #tpu.memory_space<semaphore_mem>>, %arg8: memref<2x!tpu.dma_semaphore, #tpu.memory_space<semaphore_mem>>) attributes {dimension_semantics = [#tpu.dimension_semantics<core_parallel>, #tpu.dimension_semantics<subcore_parallel>], iteration_bounds = array<i64: 2, 16>, scalar_prefetch = 0 : i64, scratch_operands = 4 : i64, tpu.core_type = #tpu.core_type<sc_vector_subcore>, window_params = [{transform_indices = #map}, {transform_indices = #map1}, {transform_indices = #map1}]} {
    %mul3A = arith.constant 2 : i32
    %mul3A_0 = arith.muli %arg1, %mul3A : i32
    %add3A = arith.addi %mul3A_0, %arg0 : i32
    %mul3A_1 = arith.constant 200 : i32
    %mul3A_2 = arith.muli %add3A, %mul3A_1 : i32
    "tpu.region"() ({
      %run_scoped3A = tpu.sem_alloc : memref<!tpu.dma_semaphore, #tpu.memory_space<semaphore_mem>>
      %dma_start3A_99 = tpu.memref_slice %arg2[%mul3A_2] : memref<6400xi32, #tpu.memory_space<hbm>> -> memref<200xi32, #tpu.memory_space<hbm>>
      %dma_start3A_100 = tpu.memref_slice %arg2[%mul3A_2] : memref<6400xi32, #tpu.memory_space<hbm>> -> memref<200xi32, #tpu.memory_space<hbm>>
      tpu.enqueue_dma source(%dma_start3A_100 : memref<200xi32, #tpu.memory_space<hbm>>) target(%arg5 : memref<200xi32, #tpu.memory_space<vmem>>) target_semaphore(%run_scoped3A : memref<!tpu.dma_semaphore, #tpu.memory_space<semaphore_mem>>)
      %dma_wait3A_101 = tpu.memref_slice %arg2[%mul3A_2] : memref<6400xi32, #tpu.memory_space<hbm>> -> memref<200xi32, #tpu.memory_space<hbm>>
      %dma_wait3A_102 = tpu.memref_slice %arg2[%mul3A_2] : memref<6400xi32, #tpu.memory_space<hbm>> -> memref<200xi32, #tpu.memory_space<hbm>>
      tpu.wait_dma2 semaphore(%run_scoped3A : memref<!tpu.dma_semaphore, #tpu.memory_space<semaphore_mem>>) src(%dma_wait3A_102 : memref<200xi32, #tpu.memory_space<hbm>>) dst(%arg5 : memref<200xi32, #tpu.memory_space<vmem>>)
      tpu.yield
    }) : () -> ()
    %dma_start3A = arith.constant 0 : i32
    %dma_start3A_3 = arith.constant 0 : i32
    %dma_start3A_4 = arith.constant 0 : i32
    %dma_start3A_5 = arith.constant 0 : i32
    %dma_start3A_6 = tpu.memref_slice %arg6[%dma_start3A, %dma_start3A_4, %dma_start3A_5] : memref<2x8x3200xf32, #tpu.memory_space<vmem>> -> memref<1x8x3200xf32, #tpu.memory_space<vmem>>
    %dma_start3A_7 = tpu.memref_squeeze %dma_start3A_6 : memref<1x8x3200xf32, #tpu.memory_space<vmem>> -> memref<8x3200xf32, #tpu.memory_space<vmem>>
    %dma_start3A_8 = arith.constant 0 : i32
    %dma_start3A_9 = tpu.memref_slice %arg5[%dma_start3A_8] : memref<200xi32, #tpu.memory_space<vmem>> -> memref<8xi32, #tpu.memory_space<vmem>>
    %dma_start3A_10 = arith.constant 0 : i32
    %dma_start3A_11 = arith.constant 0 : i32
    %dma_start3A_12 = tpu.memref_slice %arg3[%dma_start3A_10, %dma_start3A_11] : memref<6400x3200xf32, #tpu.memory_space<hbm>> -> memref<6400x3200xf32, #tpu.memory_space<hbm>>
    %dma_start3A_13 = tpu.memref_slice %arg7[%dma_start3A_3] : memref<2x!tpu.dma_semaphore, #tpu.memory_space<semaphore_mem>> -> memref<1x!tpu.dma_semaphore, #tpu.memory_space<semaphore_mem>>
    %dma_start3A_14 = tpu.memref_squeeze %dma_start3A_13 : memref<1x!tpu.dma_semaphore, #tpu.memory_space<semaphore_mem>> -> memref<!tpu.dma_semaphore, #tpu.memory_space<semaphore_mem>>
    tpu.enqueue_indirect_dma source(%dma_start3A_12 : memref<6400x3200xf32, #tpu.memory_space<hbm>>) target(%dma_start3A_7 : memref<8x3200xf32, #tpu.memory_space<vmem>>) offsets(%dma_start3A_9 : memref<8xi32, #tpu.memory_space<vmem>>) semaphore(%dma_start3A_14 : memref<!tpu.dma_semaphore, #tpu.memory_space<semaphore_mem>>)
    %dma_start3A_15 = arith.constant 1 : i32
    %dma_start3A_16 = arith.constant 1 : i32
    %dma_start3A_17 = arith.constant 0 : i32
    %dma_start3A_18 = arith.constant 0 : i32
    %dma_start3A_19 = tpu.memref_slice %arg6[%dma_start3A_15, %dma_start3A_17, %dma_start3A_18] : memref<2x8x3200xf32, #tpu.memory_space<vmem>> -> memref<1x8x3200xf32, #tpu.memory_space<vmem>>
    %dma_start3A_20 = tpu.memref_squeeze %dma_start3A_19 : memref<1x8x3200xf32, #tpu.memory_space<vmem>> -> memref<8x3200xf32, #tpu.memory_space<vmem>>
    %dma_start3A_21 = arith.constant 8 : i32
    %dma_start3A_22 = tpu.memref_slice %arg5[%dma_start3A_21] : memref<200xi32, #tpu.memory_space<vmem>> -> memref<8xi32, #tpu.memory_space<vmem>>
    %dma_start3A_23 = arith.constant 0 : i32
    %dma_start3A_24 = arith.constant 0 : i32
    %dma_start3A_25 = tpu.memref_slice %arg3[%dma_start3A_23, %dma_start3A_24] : memref<6400x3200xf32, #tpu.memory_space<hbm>> -> memref<6400x3200xf32, #tpu.memory_space<hbm>>
    %dma_start3A_26 = tpu.memref_slice %arg7[%dma_start3A_16] : memref<2x!tpu.dma_semaphore, #tpu.memory_space<semaphore_mem>> -> memref<1x!tpu.dma_semaphore, #tpu.memory_space<semaphore_mem>>
    %dma_start3A_27 = tpu.memref_squeeze %dma_start3A_26 : memref<1x!tpu.dma_semaphore, #tpu.memory_space<semaphore_mem>> -> memref<!tpu.dma_semaphore, #tpu.memory_space<semaphore_mem>>
    tpu.enqueue_indirect_dma source(%dma_start3A_25 : memref<6400x3200xf32, #tpu.memory_space<hbm>>) target(%dma_start3A_20 : memref<8x3200xf32, #tpu.memory_space<vmem>>) offsets(%dma_start3A_22 : memref<8xi32, #tpu.memory_space<vmem>>) semaphore(%dma_start3A_27 : memref<!tpu.dma_semaphore, #tpu.memory_space<semaphore_mem>>)
    %scan3A = arith.constant 0 : i32
    %scan3A_28 = arith.constant 0 : i32
    %scan3A_29 = arith.constant 12 : i32
    %scan3A_30 = arith.addi %scan3A_28, %scan3A_29 : i32
    %scan3A_31 = arith.constant 1 : i32
    scf.for %scan3A_99 = %scan3A_28 to %scan3A_30 step %scan3A_31  : i32 {
      %mul3A_100 = arith.constant 2 : i32
      %mul3A_101 = arith.muli %scan3A_99, %mul3A_100 : i32
      %add3A_102 = arith.constant 0 : i32
      %add3A_103 = arith.addi %mul3A_101, %add3A_102 : i32
      %mul3A_104 = arith.constant 8 : i32
      %mul3A_105 = arith.muli %add3A_103, %mul3A_104 : i32
      %dma_wait3A_106 = arith.constant 0 : i32
      %dma_wait3A_107 = arith.constant 0 : i32
      %dma_wait3A_108 = arith.constant 0 : i32
      %dma_wait3A_109 = arith.constant 0 : i32
      %dma_wait3A_110 = tpu.memref_slice %arg6[%dma_wait3A_106, %dma_wait3A_108, %dma_wait3A_109] : memref<2x8x3200xf32, #tpu.memory_space<vmem>> -> memref<1x8x3200xf32, #tpu.memory_space<vmem>>
      %dma_wait3A_111 = tpu.memref_squeeze %dma_wait3A_110 : memref<1x8x3200xf32, #tpu.memory_space<vmem>> -> memref<8x3200xf32, #tpu.memory_space<vmem>>
      %dma_wait3A_112 = tpu.memref_slice %arg5[%mul3A_105] : memref<200xi32, #tpu.memory_space<vmem>> -> memref<8xi32, #tpu.memory_space<vmem>>
      %dma_wait3A_113 = arith.constant 0 : i32
      %dma_wait3A_114 = arith.constant 0 : i32
      %dma_wait3A_115 = tpu.memref_slice %arg3[%dma_wait3A_113, %dma_wait3A_114] : memref<6400x3200xf32, #tpu.memory_space<hbm>> -> memref<6400x3200xf32, #tpu.memory_space<hbm>>
      %dma_wait3A_116 = tpu.memref_slice %arg7[%dma_wait3A_107] : memref<2x!tpu.dma_semaphore, #tpu.memory_space<semaphore_mem>> -> memref<1x!tpu.dma_semaphore, #tpu.memory_space<semaphore_mem>>
      %dma_wait3A_117 = tpu.memref_squeeze %dma_wait3A_116 : memref<1x!tpu.dma_semaphore, #tpu.memory_space<semaphore_mem>> -> memref<!tpu.dma_semaphore, #tpu.memory_space<semaphore_mem>>
      tpu.wait_indirect_dma semaphore(%dma_wait3A_117 : memref<!tpu.dma_semaphore, #tpu.memory_space<semaphore_mem>>) src(%dma_wait3A_115 : memref<6400x3200xf32, #tpu.memory_space<hbm>>) dst(%dma_wait3A_111 : memref<8x3200xf32, #tpu.memory_space<vmem>>)
      %mul3A_118 = arith.constant 8 : i32
      %mul3A_119 = arith.muli %add3A_103, %mul3A_118 : i32
      %add3A_120 = arith.addi %mul3A_2, %mul3A_119 : i32
      %dma_start3A_121 = arith.constant 0 : i32
      %dma_start3A_122 = arith.constant 0 : i32
      %dma_start3A_123 = arith.constant 0 : i32
      %dma_start3A_124 = arith.constant 0 : i32
      %dma_start3A_125 = tpu.memref_slice %arg6[%dma_start3A_121, %dma_start3A_123, %dma_start3A_124] : memref<2x8x3200xf32, #tpu.memory_space<vmem>> -> memref<1x8x3200xf32, #tpu.memory_space<vmem>>
      %dma_start3A_126 = tpu.memref_squeeze %dma_start3A_125 : memref<1x8x3200xf32, #tpu.memory_space<vmem>> -> memref<8x3200xf32, #tpu.memory_space<vmem>>
      %dma_start3A_127 = arith.constant 0 : i32
      %dma_start3A_128 = tpu.memref_slice %arg4[%add3A_120, %dma_start3A_127] : memref<6400x3200xf32, #tpu.memory_space<hbm>> -> memref<8x3200xf32, #tpu.memory_space<hbm>>
      %dma_start3A_129 = tpu.memref_slice %arg8[%dma_start3A_122] : memref<2x!tpu.dma_semaphore, #tpu.memory_space<semaphore_mem>> -> memref<1x!tpu.dma_semaphore, #tpu.memory_space<semaphore_mem>>
      %dma_start3A_130 = tpu.memref_squeeze %dma_start3A_129 : memref<1x!tpu.dma_semaphore, #tpu.memory_space<semaphore_mem>> -> memref<!tpu.dma_semaphore, #tpu.memory_space<semaphore_mem>>
      %dma_start3A_131 = arith.constant 0 : i32
      %dma_start3A_132 = tpu.memref_slice %arg4[%add3A_120, %dma_start3A_131] : memref<6400x3200xf32, #tpu.memory_space<hbm>> -> memref<8x3200xf32, #tpu.memory_space<hbm>>
      %dma_start3A_133 = arith.constant 0 : i32
      %dma_start3A_134 = arith.constant 0 : i32
      %dma_start3A_135 = tpu.memref_slice %arg6[%dma_start3A_121, %dma_start3A_133, %dma_start3A_134] : memref<2x8x3200xf32, #tpu.memory_space<vmem>> -> memref<1x8x3200xf32, #tpu.memory_space<vmem>>
      %dma_start3A_136 = tpu.memref_squeeze %dma_start3A_135 : memref<1x8x3200xf32, #tpu.memory_space<vmem>> -> memref<8x3200xf32, #tpu.memory_space<vmem>>
      tpu.enqueue_dma source(%dma_start3A_136 : memref<8x3200xf32, #tpu.memory_space<vmem>>) target(%dma_start3A_132 : memref<8x3200xf32, #tpu.memory_space<hbm>>) target_semaphore(%dma_start3A_130 : memref<!tpu.dma_semaphore, #tpu.memory_space<semaphore_mem>>)
      %add3A_137 = arith.constant 2 : i32
      %add3A_138 = arith.addi %add3A_103, %add3A_137 : i32
      %lt3A = arith.constant 25 : i32
      %lt3A_139 = arith.cmpi slt, %add3A_138, %lt3A : i32
      %convert_element_type3A = arith.extui %lt3A_139 : i1 to i32
      %cond3A = arith.constant 0 : i32
      %cond3A_140 = arith.cmpi ne, %convert_element_type3A, %cond3A : i32
      scf.if %cond3A_140 {
        %mul3A_185 = arith.constant 8 : i32
        %mul3A_186 = arith.muli %add3A_103, %mul3A_185 : i32
        %add3A_187 = arith.addi %mul3A_2, %mul3A_186 : i32
        %dma_wait3A_188 = arith.constant 0 : i32
        %dma_wait3A_189 = arith.constant 0 : i32
        %dma_wait3A_190 = arith.constant 0 : i32
        %dma_wait3A_191 = arith.constant 0 : i32
        %dma_wait3A_192 = tpu.memref_slice %arg6[%dma_wait3A_188, %dma_wait3A_190, %dma_wait3A_191] : memref<2x8x3200xf32, #tpu.memory_space<vmem>> -> memref<1x8x3200xf32, #tpu.memory_space<vmem>>
        %dma_wait3A_193 = tpu.memref_squeeze %dma_wait3A_192 : memref<1x8x3200xf32, #tpu.memory_space<vmem>> -> memref<8x3200xf32, #tpu.memory_space<vmem>>
        %dma_wait3A_194 = arith.constant 0 : i32
        %dma_wait3A_195 = tpu.memref_slice %arg4[%add3A_187, %dma_wait3A_194] : memref<6400x3200xf32, #tpu.memory_space<hbm>> -> memref<8x3200xf32, #tpu.memory_space<hbm>>
        %dma_wait3A_196 = tpu.memref_slice %arg8[%dma_wait3A_189] : memref<2x!tpu.dma_semaphore, #tpu.memory_space<semaphore_mem>> -> memref<1x!tpu.dma_semaphore, #tpu.memory_space<semaphore_mem>>
        %dma_wait3A_197 = tpu.memref_squeeze %dma_wait3A_196 : memref<1x!tpu.dma_semaphore, #tpu.memory_space<semaphore_mem>> -> memref<!tpu.dma_semaphore, #tpu.memory_space<semaphore_mem>>
        %dma_wait3A_198 = arith.constant 0 : i32
        %dma_wait3A_199 = tpu.memref_slice %arg4[%add3A_187, %dma_wait3A_198] : memref<6400x3200xf32, #tpu.memory_space<hbm>> -> memref<8x3200xf32, #tpu.memory_space<hbm>>
        %dma_wait3A_200 = arith.constant 0 : i32
        %dma_wait3A_201 = arith.constant 0 : i32
        %dma_wait3A_202 = tpu.memref_slice %arg6[%dma_wait3A_188, %dma_wait3A_200, %dma_wait3A_201] : memref<2x8x3200xf32, #tpu.memory_space<vmem>> -> memref<1x8x3200xf32, #tpu.memory_space<vmem>>
        %dma_wait3A_203 = tpu.memref_squeeze %dma_wait3A_202 : memref<1x8x3200xf32, #tpu.memory_space<vmem>> -> memref<8x3200xf32, #tpu.memory_space<vmem>>
        tpu.wait_dma2 semaphore(%dma_wait3A_197 : memref<!tpu.dma_semaphore, #tpu.memory_space<semaphore_mem>>) src(%dma_wait3A_203 : memref<8x3200xf32, #tpu.memory_space<vmem>>) dst(%dma_wait3A_199 : memref<8x3200xf32, #tpu.memory_space<hbm>>)
        %add3A_204 = arith.constant 2 : i32
        %add3A_205 = arith.addi %add3A_103, %add3A_204 : i32
        %mul3A_206 = arith.constant 8 : i32
        %mul3A_207 = arith.muli %add3A_205, %mul3A_206 : i32
        %dma_start3A_208 = arith.constant 0 : i32
        %dma_start3A_209 = arith.constant 0 : i32
        %dma_start3A_210 = arith.constant 0 : i32
        %dma_start3A_211 = arith.constant 0 : i32
        %dma_start3A_212 = tpu.memref_slice %arg6[%dma_start3A_208, %dma_start3A_210, %dma_start3A_211] : memref<2x8x3200xf32, #tpu.memory_space<vmem>> -> memref<1x8x3200xf32, #tpu.memory_space<vmem>>
        %dma_start3A_213 = tpu.memref_squeeze %dma_start3A_212 : memref<1x8x3200xf32, #tpu.memory_space<vmem>> -> memref<8x3200xf32, #tpu.memory_space<vmem>>
        %dma_start3A_214 = tpu.memref_slice %arg5[%mul3A_207] : memref<200xi32, #tpu.memory_space<vmem>> -> memref<8xi32, #tpu.memory_space<vmem>>
        %dma_start3A_215 = arith.constant 0 : i32
        %dma_start3A_216 = arith.constant 0 : i32
        %dma_start3A_217 = tpu.memref_slice %arg3[%dma_start3A_215, %dma_start3A_216] : memref<6400x3200xf32, #tpu.memory_space<hbm>> -> memref<6400x3200xf32, #tpu.memory_space<hbm>>
        %dma_start3A_218 = tpu.memref_slice %arg7[%dma_start3A_209] : memref<2x!tpu.dma_semaphore, #tpu.memory_space<semaphore_mem>> -> memref<1x!tpu.dma_semaphore, #tpu.memory_space<semaphore_mem>>
        %dma_start3A_219 = tpu.memref_squeeze %dma_start3A_218 : memref<1x!tpu.dma_semaphore, #tpu.memory_space<semaphore_mem>> -> memref<!tpu.dma_semaphore, #tpu.memory_space<semaphore_mem>>
        tpu.enqueue_indirect_dma source(%dma_start3A_217 : memref<6400x3200xf32, #tpu.memory_space<hbm>>) target(%dma_start3A_213 : memref<8x3200xf32, #tpu.memory_space<vmem>>) offsets(%dma_start3A_214 : memref<8xi32, #tpu.memory_space<vmem>>) semaphore(%dma_start3A_219 : memref<!tpu.dma_semaphore, #tpu.memory_space<semaphore_mem>>)
      } else {
      }
      %mul3A_141 = arith.constant 2 : i32
      %mul3A_142 = arith.muli %scan3A_99, %mul3A_141 : i32
      %add3A_143 = arith.constant 1 : i32
      %add3A_144 = arith.addi %mul3A_142, %add3A_143 : i32
      %mul3A_145 = arith.constant 8 : i32
      %mul3A_146 = arith.muli %add3A_144, %mul3A_145 : i32
      %dma_wait3A_147 = arith.constant 1 : i32
      %dma_wait3A_148 = arith.constant 1 : i32
      %dma_wait3A_149 = arith.constant 0 : i32
      %dma_wait3A_150 = arith.constant 0 : i32
      %dma_wait3A_151 = tpu.memref_slice %arg6[%dma_wait3A_147, %dma_wait3A_149, %dma_wait3A_150] : memref<2x8x3200xf32, #tpu.memory_space<vmem>> -> memref<1x8x3200xf32, #tpu.memory_space<vmem>>
      %dma_wait3A_152 = tpu.memref_squeeze %dma_wait3A_151 : memref<1x8x3200xf32, #tpu.memory_space<vmem>> -> memref<8x3200xf32, #tpu.memory_space<vmem>>
      %dma_wait3A_153 = tpu.memref_slice %arg5[%mul3A_146] : memref<200xi32, #tpu.memory_space<vmem>> -> memref<8xi32, #tpu.memory_space<vmem>>
      %dma_wait3A_154 = arith.constant 0 : i32
      %dma_wait3A_155 = arith.constant 0 : i32
      %dma_wait3A_156 = tpu.memref_slice %arg3[%dma_wait3A_154, %dma_wait3A_155] : memref<6400x3200xf32, #tpu.memory_space<hbm>> -> memref<6400x3200xf32, #tpu.memory_space<hbm>>
      %dma_wait3A_157 = tpu.memref_slice %arg7[%dma_wait3A_148] : memref<2x!tpu.dma_semaphore, #tpu.memory_space<semaphore_mem>> -> memref<1x!tpu.dma_semaphore, #tpu.memory_space<semaphore_mem>>
      %dma_wait3A_158 = tpu.memref_squeeze %dma_wait3A_157 : memref<1x!tpu.dma_semaphore, #tpu.memory_space<semaphore_mem>> -> memref<!tpu.dma_semaphore, #tpu.memory_space<semaphore_mem>>
      tpu.wait_indirect_dma semaphore(%dma_wait3A_158 : memref<!tpu.dma_semaphore, #tpu.memory_space<semaphore_mem>>) src(%dma_wait3A_156 : memref<6400x3200xf32, #tpu.memory_space<hbm>>) dst(%dma_wait3A_152 : memref<8x3200xf32, #tpu.memory_space<vmem>>)
      %mul3A_159 = arith.constant 8 : i32
      %mul3A_160 = arith.muli %add3A_144, %mul3A_159 : i32
      %add3A_161 = arith.addi %mul3A_2, %mul3A_160 : i32
      %dma_start3A_162 = arith.constant 1 : i32
      %dma_start3A_163 = arith.constant 1 : i32
      %dma_start3A_164 = arith.constant 0 : i32
      %dma_start3A_165 = arith.constant 0 : i32
      %dma_start3A_166 = tpu.memref_slice %arg6[%dma_start3A_162, %dma_start3A_164, %dma_start3A_165] : memref<2x8x3200xf32, #tpu.memory_space<vmem>> -> memref<1x8x3200xf32, #tpu.memory_space<vmem>>
      %dma_start3A_167 = tpu.memref_squeeze %dma_start3A_166 : memref<1x8x3200xf32, #tpu.memory_space<vmem>> -> memref<8x3200xf32, #tpu.memory_space<vmem>>
      %dma_start3A_168 = arith.constant 0 : i32
      %dma_start3A_169 = tpu.memref_slice %arg4[%add3A_161, %dma_start3A_168] : memref<6400x3200xf32, #tpu.memory_space<hbm>> -> memref<8x3200xf32, #tpu.memory_space<hbm>>
      %dma_start3A_170 = tpu.memref_slice %arg8[%dma_start3A_163] : memref<2x!tpu.dma_semaphore, #tpu.memory_space<semaphore_mem>> -> memref<1x!tpu.dma_semaphore, #tpu.memory_space<semaphore_mem>>
      %dma_start3A_171 = tpu.memref_squeeze %dma_start3A_170 : memref<1x!tpu.dma_semaphore, #tpu.memory_space<semaphore_mem>> -> memref<!tpu.dma_semaphore, #tpu.memory_space<semaphore_mem>>
      %dma_start3A_172 = arith.constant 0 : i32
      %dma_start3A_173 = tpu.memref_slice %arg4[%add3A_161, %dma_start3A_172] : memref<6400x3200xf32, #tpu.memory_space<hbm>> -> memref<8x3200xf32, #tpu.memory_space<hbm>>
      %dma_start3A_174 = arith.constant 0 : i32
      %dma_start3A_175 = arith.constant 0 : i32
      %dma_start3A_176 = tpu.memref_slice %arg6[%dma_start3A_162, %dma_start3A_174, %dma_start3A_175] : memref<2x8x3200xf32, #tpu.memory_space<vmem>> -> memref<1x8x3200xf32, #tpu.memory_space<vmem>>
      %dma_start3A_177 = tpu.memref_squeeze %dma_start3A_176 : memref<1x8x3200xf32, #tpu.memory_space<vmem>> -> memref<8x3200xf32, #tpu.memory_space<vmem>>
      tpu.enqueue_dma source(%dma_start3A_177 : memref<8x3200xf32, #tpu.memory_space<vmem>>) target(%dma_start3A_173 : memref<8x3200xf32, #tpu.memory_space<hbm>>) target_semaphore(%dma_start3A_171 : memref<!tpu.dma_semaphore, #tpu.memory_space<semaphore_mem>>)
      %add3A_178 = arith.constant 2 : i32
      %add3A_179 = arith.addi %add3A_144, %add3A_178 : i32
      %lt3A_180 = arith.constant 25 : i32
      %lt3A_181 = arith.cmpi slt, %add3A_179, %lt3A_180 : i32
      %convert_element_type3A_182 = arith.extui %lt3A_181 : i1 to i32
      %cond3A_183 = arith.constant 0 : i32
      %cond3A_184 = arith.cmpi ne, %convert_element_type3A_182, %cond3A_183 : i32
      scf.if %cond3A_184 {
        %mul3A_185 = arith.constant 8 : i32
        %mul3A_186 = arith.muli %add3A_144, %mul3A_185 : i32
        %add3A_187 = arith.addi %mul3A_2, %mul3A_186 : i32
        %dma_wait3A_188 = arith.constant 1 : i32
        %dma_wait3A_189 = arith.constant 1 : i32
        %dma_wait3A_190 = arith.constant 0 : i32
        %dma_wait3A_191 = arith.constant 0 : i32
        %dma_wait3A_192 = tpu.memref_slice %arg6[%dma_wait3A_188, %dma_wait3A_190, %dma_wait3A_191] : memref<2x8x3200xf32, #tpu.memory_space<vmem>> -> memref<1x8x3200xf32, #tpu.memory_space<vmem>>
        %dma_wait3A_193 = tpu.memref_squeeze %dma_wait3A_192 : memref<1x8x3200xf32, #tpu.memory_space<vmem>> -> memref<8x3200xf32, #tpu.memory_space<vmem>>
        %dma_wait3A_194 = arith.constant 0 : i32
        %dma_wait3A_195 = tpu.memref_slice %arg4[%add3A_187, %dma_wait3A_194] : memref<6400x3200xf32, #tpu.memory_space<hbm>> -> memref<8x3200xf32, #tpu.memory_space<hbm>>
        %dma_wait3A_196 = tpu.memref_slice %arg8[%dma_wait3A_189] : memref<2x!tpu.dma_semaphore, #tpu.memory_space<semaphore_mem>> -> memref<1x!tpu.dma_semaphore, #tpu.memory_space<semaphore_mem>>
        %dma_wait3A_197 = tpu.memref_squeeze %dma_wait3A_196 : memref<1x!tpu.dma_semaphore, #tpu.memory_space<semaphore_mem>> -> memref<!tpu.dma_semaphore, #tpu.memory_space<semaphore_mem>>
        %dma_wait3A_198 = arith.constant 0 : i32
        %dma_wait3A_199 = tpu.memref_slice %arg4[%add3A_187, %dma_wait3A_198] : memref<6400x3200xf32, #tpu.memory_space<hbm>> -> memref<8x3200xf32, #tpu.memory_space<hbm>>
        %dma_wait3A_200 = arith.constant 0 : i32
        %dma_wait3A_201 = arith.constant 0 : i32
        %dma_wait3A_202 = tpu.memref_slice %arg6[%dma_wait3A_188, %dma_wait3A_200, %dma_wait3A_201] : memref<2x8x3200xf32, #tpu.memory_space<vmem>> -> memref<1x8x3200xf32, #tpu.memory_space<vmem>>
        %dma_wait3A_203 = tpu.memref_squeeze %dma_wait3A_202 : memref<1x8x3200xf32, #tpu.memory_space<vmem>> -> memref<8x3200xf32, #tpu.memory_space<vmem>>
        tpu.wait_dma2 semaphore(%dma_wait3A_197 : memref<!tpu.dma_semaphore, #tpu.memory_space<semaphore_mem>>) src(%dma_wait3A_203 : memref<8x3200xf32, #tpu.memory_space<vmem>>) dst(%dma_wait3A_199 : memref<8x3200xf32, #tpu.memory_space<hbm>>)
        %add3A_204 = arith.constant 2 : i32
        %add3A_205 = arith.addi %add3A_144, %add3A_204 : i32
        %mul3A_206 = arith.constant 8 : i32
        %mul3A_207 = arith.muli %add3A_205, %mul3A_206 : i32
        %dma_start3A_208 = arith.constant 1 : i32
        %dma_start3A_209 = arith.constant 1 : i32
        %dma_start3A_210 = arith.constant 0 : i32
        %dma_start3A_211 = arith.constant 0 : i32
        %dma_start3A_212 = tpu.memref_slice %arg6[%dma_start3A_208, %dma_start3A_210, %dma_start3A_211] : memref<2x8x3200xf32, #tpu.memory_space<vmem>> -> memref<1x8x3200xf32, #tpu.memory_space<vmem>>
        %dma_start3A_213 = tpu.memref_squeeze %dma_start3A_212 : memref<1x8x3200xf32, #tpu.memory_space<vmem>> -> memref<8x3200xf32, #tpu.memory_space<vmem>>
        %dma_start3A_214 = tpu.memref_slice %arg5[%mul3A_207] : memref<200xi32, #tpu.memory_space<vmem>> -> memref<8xi32, #tpu.memory_space<vmem>>
        %dma_start3A_215 = arith.constant 0 : i32
        %dma_start3A_216 = arith.constant 0 : i32
        %dma_start3A_217 = tpu.memref_slice %arg3[%dma_start3A_215, %dma_start3A_216] : memref<6400x3200xf32, #tpu.memory_space<hbm>> -> memref<6400x3200xf32, #tpu.memory_space<hbm>>
        %dma_start3A_218 = tpu.memref_slice %arg7[%dma_start3A_209] : memref<2x!tpu.dma_semaphore, #tpu.memory_space<semaphore_mem>> -> memref<1x!tpu.dma_semaphore, #tpu.memory_space<semaphore_mem>>
        %dma_start3A_219 = tpu.memref_squeeze %dma_start3A_218 : memref<1x!tpu.dma_semaphore, #tpu.memory_space<semaphore_mem>> -> memref<!tpu.dma_semaphore, #tpu.memory_space<semaphore_mem>>
        tpu.enqueue_indirect_dma source(%dma_start3A_217 : memref<6400x3200xf32, #tpu.memory_space<hbm>>) target(%dma_start3A_213 : memref<8x3200xf32, #tpu.memory_space<vmem>>) offsets(%dma_start3A_214 : memref<8xi32, #tpu.memory_space<vmem>>) semaphore(%dma_start3A_219 : memref<!tpu.dma_semaphore, #tpu.memory_space<semaphore_mem>>)
      } else {
      }
    }
    %scan3A_32 = arith.constant 12 : i32
    %dma_wait3A = arith.constant 0 : i32
    %dma_wait3A_33 = arith.constant 0 : i32
    %dma_wait3A_34 = arith.constant 0 : i32
    %dma_wait3A_35 = arith.constant 0 : i32
    %dma_wait3A_36 = tpu.memref_slice %arg6[%dma_wait3A, %dma_wait3A_34, %dma_wait3A_35] : memref<2x8x3200xf32, #tpu.memory_space<vmem>> -> memref<1x8x3200xf32, #tpu.memory_space<vmem>>
    %dma_wait3A_37 = tpu.memref_squeeze %dma_wait3A_36 : memref<1x8x3200xf32, #tpu.memory_space<vmem>> -> memref<8x3200xf32, #tpu.memory_space<vmem>>
    %dma_wait3A_38 = arith.constant 192 : i32
    %dma_wait3A_39 = tpu.memref_slice %arg5[%dma_wait3A_38] : memref<200xi32, #tpu.memory_space<vmem>> -> memref<8xi32, #tpu.memory_space<vmem>>
    %dma_wait3A_40 = arith.constant 0 : i32
    %dma_wait3A_41 = arith.constant 0 : i32
    %dma_wait3A_42 = tpu.memref_slice %arg3[%dma_wait3A_40, %dma_wait3A_41] : memref<6400x3200xf32, #tpu.memory_space<hbm>> -> memref<6400x3200xf32, #tpu.memory_space<hbm>>
    %dma_wait3A_43 = tpu.memref_slice %arg7[%dma_wait3A_33] : memref<2x!tpu.dma_semaphore, #tpu.memory_space<semaphore_mem>> -> memref<1x!tpu.dma_semaphore, #tpu.memory_space<semaphore_mem>>
    %dma_wait3A_44 = tpu.memref_squeeze %dma_wait3A_43 : memref<1x!tpu.dma_semaphore, #tpu.memory_space<semaphore_mem>> -> memref<!tpu.dma_semaphore, #tpu.memory_space<semaphore_mem>>
    tpu.wait_indirect_dma semaphore(%dma_wait3A_44 : memref<!tpu.dma_semaphore, #tpu.memory_space<semaphore_mem>>) src(%dma_wait3A_42 : memref<6400x3200xf32, #tpu.memory_space<hbm>>) dst(%dma_wait3A_37 : memref<8x3200xf32, #tpu.memory_space<vmem>>)
    %add3A_45 = arith.constant 192 : i32
    %add3A_46 = arith.addi %mul3A_2, %add3A_45 : i32
    %dma_start3A_47 = arith.constant 0 : i32
    %dma_start3A_48 = arith.constant 0 : i32
    %dma_start3A_49 = arith.constant 0 : i32
    %dma_start3A_50 = arith.constant 0 : i32
    %dma_start3A_51 = tpu.memref_slice %arg6[%dma_start3A_47, %dma_start3A_49, %dma_start3A_50] : memref<2x8x3200xf32, #tpu.memory_space<vmem>> -> memref<1x8x3200xf32, #tpu.memory_space<vmem>>
    %dma_start3A_52 = tpu.memref_squeeze %dma_start3A_51 : memref<1x8x3200xf32, #tpu.memory_space<vmem>> -> memref<8x3200xf32, #tpu.memory_space<vmem>>
    %dma_start3A_53 = arith.constant 0 : i32
    %dma_start3A_54 = tpu.memref_slice %arg4[%add3A_46, %dma_start3A_53] : memref<6400x3200xf32, #tpu.memory_space<hbm>> -> memref<8x3200xf32, #tpu.memory_space<hbm>>
    %dma_start3A_55 = tpu.memref_slice %arg8[%dma_start3A_48] : memref<2x!tpu.dma_semaphore, #tpu.memory_space<semaphore_mem>> -> memref<1x!tpu.dma_semaphore, #tpu.memory_space<semaphore_mem>>
    %dma_start3A_56 = tpu.memref_squeeze %dma_start3A_55 : memref<1x!tpu.dma_semaphore, #tpu.memory_space<semaphore_mem>> -> memref<!tpu.dma_semaphore, #tpu.memory_space<semaphore_mem>>
    %dma_start3A_57 = arith.constant 0 : i32
    %dma_start3A_58 = tpu.memref_slice %arg4[%add3A_46, %dma_start3A_57] : memref<6400x3200xf32, #tpu.memory_space<hbm>> -> memref<8x3200xf32, #tpu.memory_space<hbm>>
    %dma_start3A_59 = arith.constant 0 : i32
    %dma_start3A_60 = arith.constant 0 : i32
    %dma_start3A_61 = tpu.memref_slice %arg6[%dma_start3A_47, %dma_start3A_59, %dma_start3A_60] : memref<2x8x3200xf32, #tpu.memory_space<vmem>> -> memref<1x8x3200xf32, #tpu.memory_space<vmem>>
    %dma_start3A_62 = tpu.memref_squeeze %dma_start3A_61 : memref<1x8x3200xf32, #tpu.memory_space<vmem>> -> memref<8x3200xf32, #tpu.memory_space<vmem>>
    tpu.enqueue_dma source(%dma_start3A_62 : memref<8x3200xf32, #tpu.memory_space<vmem>>) target(%dma_start3A_58 : memref<8x3200xf32, #tpu.memory_space<hbm>>) target_semaphore(%dma_start3A_56 : memref<!tpu.dma_semaphore, #tpu.memory_space<semaphore_mem>>)
    %add3A_63 = arith.constant 184 : i32
    %add3A_64 = arith.addi %mul3A_2, %add3A_63 : i32
    %dma_wait3A_65 = arith.constant 1 : i32
    %dma_wait3A_66 = arith.constant 1 : i32
    %dma_wait3A_67 = arith.constant 0 : i32
    %dma_wait3A_68 = arith.constant 0 : i32
    %dma_wait3A_69 = tpu.memref_slice %arg6[%dma_wait3A_65, %dma_wait3A_67, %dma_wait3A_68] : memref<2x8x3200xf32, #tpu.memory_space<vmem>> -> memref<1x8x3200xf32, #tpu.memory_space<vmem>>
    %dma_wait3A_70 = tpu.memref_squeeze %dma_wait3A_69 : memref<1x8x3200xf32, #tpu.memory_space<vmem>> -> memref<8x3200xf32, #tpu.memory_space<vmem>>
    %dma_wait3A_71 = arith.constant 0 : i32
    %dma_wait3A_72 = tpu.memref_slice %arg4[%add3A_64, %dma_wait3A_71] : memref<6400x3200xf32, #tpu.memory_space<hbm>> -> memref<8x3200xf32, #tpu.memory_space<hbm>>
    %dma_wait3A_73 = tpu.memref_slice %arg8[%dma_wait3A_66] : memref<2x!tpu.dma_semaphore, #tpu.memory_space<semaphore_mem>> -> memref<1x!tpu.dma_semaphore, #tpu.memory_space<semaphore_mem>>
    %dma_wait3A_74 = tpu.memref_squeeze %dma_wait3A_73 : memref<1x!tpu.dma_semaphore, #tpu.memory_space<semaphore_mem>> -> memref<!tpu.dma_semaphore, #tpu.memory_space<semaphore_mem>>
    %dma_wait3A_75 = arith.constant 0 : i32
    %dma_wait3A_76 = tpu.memref_slice %arg4[%add3A_64, %dma_wait3A_75] : memref<6400x3200xf32, #tpu.memory_space<hbm>> -> memref<8x3200xf32, #tpu.memory_space<hbm>>
    %dma_wait3A_77 = arith.constant 0 : i32
    %dma_wait3A_78 = arith.constant 0 : i32
    %dma_wait3A_79 = tpu.memref_slice %arg6[%dma_wait3A_65, %dma_wait3A_77, %dma_wait3A_78] : memref<2x8x3200xf32, #tpu.memory_space<vmem>> -> memref<1x8x3200xf32, #tpu.memory_space<vmem>>
    %dma_wait3A_80 = tpu.memref_squeeze %dma_wait3A_79 : memref<1x8x3200xf32, #tpu.memory_space<vmem>> -> memref<8x3200xf32, #tpu.memory_space<vmem>>
    tpu.wait_dma2 semaphore(%dma_wait3A_74 : memref<!tpu.dma_semaphore, #tpu.memory_space<semaphore_mem>>) src(%dma_wait3A_80 : memref<8x3200xf32, #tpu.memory_space<vmem>>) dst(%dma_wait3A_76 : memref<8x3200xf32, #tpu.memory_space<hbm>>)
    %add3A_81 = arith.constant 192 : i32
    %add3A_82 = arith.addi %mul3A_2, %add3A_81 : i32
    %dma_wait3A_83 = arith.constant 0 : i32
    %dma_wait3A_84 = arith.constant 0 : i32
    %dma_wait3A_85 = arith.constant 0 : i32
    %dma_wait3A_86 = arith.constant 0 : i32
    %dma_wait3A_87 = tpu.memref_slice %arg6[%dma_wait3A_83, %dma_wait3A_85, %dma_wait3A_86] : memref<2x8x3200xf32, #tpu.memory_space<vmem>> -> memref<1x8x3200xf32, #tpu.memory_space<vmem>>
    %dma_wait3A_88 = tpu.memref_squeeze %dma_wait3A_87 : memref<1x8x3200xf32, #tpu.memory_space<vmem>> -> memref<8x3200xf32, #tpu.memory_space<vmem>>
    %dma_wait3A_89 = arith.constant 0 : i32
    %dma_wait3A_90 = tpu.memref_slice %arg4[%add3A_82, %dma_wait3A_89] : memref<6400x3200xf32, #tpu.memory_space<hbm>> -> memref<8x3200xf32, #tpu.memory_space<hbm>>
    %dma_wait3A_91 = tpu.memref_slice %arg8[%dma_wait3A_84] : memref<2x!tpu.dma_semaphore, #tpu.memory_space<semaphore_mem>> -> memref<1x!tpu.dma_semaphore, #tpu.memory_space<semaphore_mem>>
    %dma_wait3A_92 = tpu.memref_squeeze %dma_wait3A_91 : memref<1x!tpu.dma_semaphore, #tpu.memory_space<semaphore_mem>> -> memref<!tpu.dma_semaphore, #tpu.memory_space<semaphore_mem>>
    %dma_wait3A_93 = arith.constant 0 : i32
    %dma_wait3A_94 = tpu.memref_slice %arg4[%add3A_82, %dma_wait3A_93] : memref<6400x3200xf32, #tpu.memory_space<hbm>> -> memref<8x3200xf32, #tpu.memory_space<hbm>>
    %dma_wait3A_95 = arith.constant 0 : i32
    %dma_wait3A_96 = arith.constant 0 : i32
    %dma_wait3A_97 = tpu.memref_slice %arg6[%dma_wait3A_83, %dma_wait3A_95, %dma_wait3A_96] : memref<2x8x3200xf32, #tpu.memory_space<vmem>> -> memref<1x8x3200xf32, #tpu.memory_space<vmem>>
    %dma_wait3A_98 = tpu.memref_squeeze %dma_wait3A_97 : memref<1x8x3200xf32, #tpu.memory_space<vmem>> -> memref<8x3200xf32, #tpu.memory_space<vmem>>
    tpu.wait_dma2 semaphore(%dma_wait3A_92 : memref<!tpu.dma_semaphore, #tpu.memory_space<semaphore_mem>>) src(%dma_wait3A_98 : memref<8x3200xf32, #tpu.memory_space<vmem>>) dst(%dma_wait3A_94 : memref<8x3200xf32, #tpu.memory_space<hbm>>)
    return
  }
}

</mosaic_0001>

<sc_bundles>
// kernel: kernel.3.cloned.1.call-start
scs
__scs_entry_jumppad:
0x0: {  	(pc) =	sbr.rel $0x88, $3  }
0x1: {  	(tag) =	ssettag $0x0;
	lr =	simm.s32 $0x1  }
0x2: {  	[smem:$0x3FA0] =	sst lr;
	_ =	strace $0xD0000000  }
0x3: {  	_ = 	snop  }
0x4: {  	_ = 	snop  }
0x5: {  	_ = 	snop  }
0x6: {  	_ = 	snop  }
0x7: {  	_ = 	snop  }
__scs_overlays_trampoline_lowered:
0x8: {  	[smem:$0x3FAF] =	sst s0  }
0x9: {  	[smem:$0x3FB0] =	sst s1  }
0xa: {  	[smem:$0x3FB1] =	sst s2  }
0xb: {  	[smem:$0x3FB2] =	sst s3  }
0xc: {  	[smem:$0x3FB3] =	sst s4  }
0xd: {  	[smem:$0x3FB4] =	sst s5  }
0xe: {  	[smem:$0x3FB5] =	sst s6  }
0xf: {  	[smem:$0x3FB6] =	sst s7  }
0x10: {  	[smem:$0x3FB7] =	sst s8  }
0x11: {  	[smem:$0x3FB8] =	sst s9;
	s0 =	simm.s32 @!p0 $0x0  }
0x12: {  	s1 =	sld [smem:$0x3F9E];
	s0 =	simm.s32 @p0 $0x1  }
0x13: {  	[smem:$0x3FB9] =	sst s0;
	s0 =	simm.s32 @!p1 $0x0  }
0x14: {  	s2 =	sld [smem:$0x3F9D];
	s0 =	simm.s32 @p1 $0x1  }
0x15: {  	[smem:$0x3FBA] =	sst s0;
	s0 =	simm.s32 @!p2 $0x0  }
0x16: {  	s3 =	sld [smem:$0x3FDB];
	s0 =	simm.s32 @p2 $0x1  }
0x17: {  	s4 =	simm.s32 $0x1BF5;
	[smem:$0x3FBC] =	sst s0  }
0x18: {  	s0 =	sld [smem:$0x3F9F];
	_ =	swait.ge [sflag:s4], $0x0  }
0x19: {  	s7 =	sld [smem:$0x3FA0]  }
0x1a: {  	s8 =	sadd.s32 $0xFFFFE003, lr  }
0x1b: {  	s9 =	sadd.s32 $0xFFFFFEF7, lr;
	s5 =	simm.s32 $0xFFFFFFFF;
	p2 =	slt.u32 s8, $0xFFFFF086  }
0x1c: {  	p1 =	slt.u32 s9, $0xF7A;
	s5 =	simm.s32 @!p2 $0x0  }
0x1d: {  	s5 =	simm.s32 @p1 $0x1;
	p0 =	seq.s32 s7, s2  }
0x1e: {  	s7 =	smul.u32 @!p0 $0xF7A, s2;
	p2 =	seq.s32 @!p0 s5, $0x0  }
0x1f: {  	s9 =	smul.u32 $0xF7A, s1;
	s8 =	simm.s32 @!p0 $0x1BF5;
	p2 =	por !p2, p0  }
0x20: {  	[sflag:s8] =	ssyncset.s32 @!p0 $0xFFFFF086;
	s6 =	sadd.s32 @!p0 s3, s7;
	s7 =	simm.s32 @!p0 $0x108  }
0x21: {  	s3 =	sadd.s32 s3, s9;
	s6 =	sadd.s32 @!p0 $0x88, s6;
	s7 =	simm.s32 @p2 $0x1082  }
0x22: {  	[simem:s7], [sflag:s8] =	dma.local @!p0 [hbm:s6], $0xF7A  }
0x23: {  	s9 =	sor.u32 $0xD0000000, s2;
	s6 =	simm.s32 $0x108;
	_ =	swait.ge @!p0 [sflag:s8], $0x0  }
0x24: {  	s3 =	sadd.s32 $0x88, s3;
	s6 =	simm.s32 @!p1 $0x1082;
	[sflag:s4] =	ssyncset.s32 $0xFFFFF086  }
0x25: {  	[simem:s6], [sflag:s4] =	dma.local [hbm:s3], $0xF7A  }
0x26: {  	[smem:$0x3FA0] =	sst s1;
	(tag) =	ssettag s2;
	_ =	strace s9  }
0x27: {  	s1 =	sld [smem:$0x3FB0]  }
0x28: {  	s2 =	sld [smem:$0x3FB1]  }
0x29: {  	s4 =	sld [smem:$0x3FB3]  }
0x2a: {  	p0 =	seq.s32 s5, $0x0;
	s5 =	sld [smem:$0x3FB4]  }
0x2b: {  	s6 =	sld [smem:$0x3FB5]  }
0x2c: {  	s7 =	sld [smem:$0x3FB6]  }
0x2d: {  	s3 =	simm.s32 $0x108;
	s8 =	sld [smem:$0x3FB7]  }
0x2e: {  	s3 =	simm.s32 @!p0 $0x1082;
	s9 =	sld [smem:$0x3FB8]  }
0x2f: {  	lr =	sadd.s32 s0, s3;
	s0 =	sld [smem:$0x3FAF]  }
0x30: {  	s3 =	sld [smem:$0x3FB2]  }
0x31: {  	[smem:$0x3FBB] =	sst s10  }
0x32: {  	s10 =	sld [smem:$0x3FB9];
	_ =	sdelay $0x3  }
0x33: {  	p0 =	seq.s32 s10, $0x1;
	s10 =	sld [smem:$0x3FBB];
	_ =	sdelay $0x3  }
0x34: {  	[smem:$0x3FBB] =	sst s10  }
0x35: {  	s10 =	sld [smem:$0x3FBA];
	_ =	sdelay $0x3  }
0x36: {  	p1 =	seq.s32 s10, $0x1;
	s10 =	sld [smem:$0x3FBB];
	_ =	sdelay $0x3  }
0x37: {  	[smem:$0x3FBB] =	sst s10  }
0x38: {  	s10 =	sld [smem:$0x3FBC]  }
0x39: {  	_ = 	snop;
	(pc) =	sbr.ind lr, $3  }
0x3a: {  	_ = 	snop  }
0x3b: {  	_ = 	snop  }
0x3c: {  	p2 =	seq.s32 s10, $0x1;
	s10 =	sld [smem:$0x3FBB]  }
0x3d: {  	_ =	shalt  }
0x3e: {  	_ =	shalt  }
0x3f: {  	_ =	shalt  }
0x40: {  	_ =	shalt  }
0x41: {  	_ =	shalt  }
0x42: {  	_ =	shalt  }
0x43: {  	_ =	shalt  }
0x44: {  	_ =	shalt  }
0x45: {  	_ =	shalt  }
0x46: {  	_ =	shalt  }
0x47: {  	_ =	shalt  }
0x48: {  	_ =	shalt  }
0x49: {  	_ =	shalt  }
0x4a: {  	_ =	shalt  }
0x4b: {  	_ =	shalt  }
0x4c: {  	_ =	shalt  }
0x4d: {  	_ =	shalt  }
0x4e: {  	_ =	shalt  }
0x4f: {  	_ =	shalt  }
0x50: {  	_ =	shalt  }
0x51: {  	_ =	shalt  }
0x52: {  	_ =	shalt  }
0x53: {  	_ =	shalt  }
0x54: {  	_ =	shalt  }
0x55: {  	_ =	shalt  }
0x56: {  	_ =	shalt  }
0x57: {  	_ =	shalt  }
0x58: {  	_ =	shalt  }
0x59: {  	_ =	shalt  }
0x5a: {  	_ =	shalt  }
0x5b: {  	_ =	shalt  }
0x5c: {  	_ =	shalt  }
0x5d: {  	_ =	shalt  }
0x5e: {  	_ =	shalt  }
0x5f: {  	_ =	shalt  }
0x60: {  	_ =	shalt  }
0x61: {  	_ =	shalt  }
0x62: {  	_ =	shalt  }
0x63: {  	_ =	shalt  }
0x64: {  	_ =	shalt  }
0x65: {  	_ =	shalt  }
0x66: {  	_ =	shalt  }
0x67: {  	_ =	shalt  }
0x68: {  	_ =	shalt  }
0x69: {  	_ =	shalt  }
0x6a: {  	_ =	shalt  }
0x6b: {  	_ =	shalt  }
0x6c: {  	_ =	shalt  }
0x6d: {  	_ =	shalt  }
0x6e: {  	_ =	shalt  }
0x6f: {  	_ =	shalt  }
0x70: {  	_ =	shalt  }
0x71: {  	_ =	shalt  }
0x72: {  	_ =	shalt  }
0x73: {  	_ =	shalt  }
0x74: {  	_ =	shalt  }
0x75: {  	_ =	shalt  }
0x76: {  	_ =	shalt  }
0x77: {  	_ =	shalt  }
0x78: {  	_ =	shalt  }
0x79: {  	_ =	shalt  }
0x7a: {  	_ =	shalt  }
0x7b: {  	_ =	shalt  }
0x7c: {  	_ =	shalt  }
0x7d: {  	_ =	shalt  }
0x7e: {  	_ =	shalt  }
0x7f: {  	_ =	shalt  }
0x80: {  	_ =	shalt  }
0x81: {  	_ =	shalt  }
0x82: {  	_ =	shalt  }
0x83: {  	_ =	shalt  }
0x84: {  	_ =	shalt  }
0x85: {  	_ =	shalt  }
0x86: {  	_ =	shalt  }
0x87: {  	_ =	shalt  }
.Lfunc_end0:
.L_simem_size_0:
called_computation_lowered:
.L_overlay_start_0:
0x88: {  	s2 =	sld [smem:$0x3FD9]  }
0x89: {  	s3 =	sld [smem:$0x3FFE];
	_ =	sdelay $0x1  }
0x8a: {  	s1 =	srdreg.scid  }
0x8b: {  	s0 =	sand.u32 $0x1, s1  }
0x8c: {  	s17 =	sshll.u32 s0, $0xA;
	s2 =	sadd.s32 s3, s2  }
0x8d: {  	s2 =	sadd.s32 s2, s17  }
0x8e: {  	[smem:$0x3FC7] =	sst s2  }
0x8f: {  	_ = 	snop  }
0x90: {  	s2 =	sld [smem:$0x3FD0];
	(tm) =	ssettm $0x1  }
0x91: {  	s18 =	sld [smem:$0x3FFB];
	_ =	sdelay $0x3  }
0x92: {  	_ =	strace s18  }
0x93: {  	s3 =	sld [smem:$0x3FFC];
	_ =	sdelay $0x3  }
0x94: {  	_ =	strace s3  }
0x95: {  	s3 =	sld [smem:$0x3FFD];
	_ =	sdelay $0x3  }
0x96: {  	_ =	strace s3  }
0x97: {  	_ =	strace $0x8FFFFFFF  }
0x98: {  	s19 =	sld [smem:$0x3FDB];
	_ =	sdelay $0x1  }
0x99: {  	s4 =	simm.s32 $_scs_section_size  }
0x9a: {  	s5 =	simm.s32 $_size__tile_overlayer_lowered;
	s6 =	simm.s32 $_tile_overlayer_lowered  }
0x9b: {  	s22 =	simm.s32 $0x1BFF;
	s21 =	sshll.u32 s6, $0x1;
	s3 =	sadd.s32 s4, s19  }
0x9c: {  	s7 =	simm.s32 $0x0;
	s20 =	sshll.u32 s5, $0x1;
	s5 =	sadd.s32 s21, s3  }
0x9d: {  	[timem:s7], [sflag:s22] =	dma.local [hbm:s5], s20  }
0x9e: {  	_ =	swait.ge [sflag:s22], s20  }
0x9f: {  	s4 =	ssub.s32 $0x0, s20;
	[sflag:s22] =	ssyncset.done $0x0  }
0xa0: {  	[sflag:s22] =	ssyncadd.s32 s4;
	_ =	sdelay $0x1  }
0xa1: {  	s23 =	simm.s32 $0x1B8B  }
0xa2: {  	_ =	swait.ge [sflag:s23], $0x1  }
0xa3: {  	[sflag:s23] =	ssyncset.done $0x0  }
0xa4: {  	s25 =	simm.s32 $0x1B8E;
	s24 =	sld [smem:$0x3FFE];
	[sflag:s23] =	ssyncadd.s32 $0xFFFFFFFF  }
0xa5: {  	s26 =	simm.s32 $execute0_lowered;
	[smem:$0x3FD2] =	sst s25  }
0xa6: {  	s5 =	sshll.u32 s26, $0x1;
	_ =	strace $0x80000046;
	[dreg:$0x1] =	wrdreg $0xFFFFFFFF  }
0xa7: {  	s28 =	simm.s32 $_size_execute0_lowered;
	s3 =	sadd.s32 s3, s5;
	[dreg:$0x0] =	wrdreg $0x0  }
0xa8: {  	s5 =	sshll.u32 s28, $0x1;
	[dreg:$0x2] =	wrdreg s3  }
0xa9: {  	[dreg:$0x3] =	wrdreg s5  }
0xaa: {  	[dreg:$0x4] =	wrdreg $0xC0  }
0xab: {  	_ =	task [dreg:s7], $0x5FFFF  }
0xac: {  	[dreg:$0x1] =	wrdreg $0xFFFFFFFF  }
0xad: {  	[dreg:$0x0] =	wrdreg $0x60  }
0xae: {  	[dreg:$0x2] =	wrdreg s2  }
0xaf: {  	[dreg:$0x3] =	wrdreg s24  }
0xb0: {  	[dreg:$0x4] =	wrdreg $0x9  }
0xb1: {  	_ =	task.clear_ibuf [dreg:s7], $0x5FFFF;
	_ =	strace $0x90000046  }
0xb2: {  	s29 =	simm.s32 $0x9;
	_ =	strace $0x80000048  }
0xb3: {  	_ =	swait.ge [sflag:s29], $0x1  }
0xb4: {  	[sflag:s29] =	ssyncadd.s32 $0xFFFFFFFF  }
0xb5: {  	_ =	strace $0x90000048  }
0xb6: {  	_ =	sfence  }
0xb7: {  	s30 =	sld [smem:$0x0];
	_ =	sdelay $0x2  }
0xb8: {  	s31 =	sshll.u32 s1, $0xD;
	s1 =	sshrl.u32 s1, $0x2  }
0xb9: {  	s3 =	sand.u32 $0x4000, s31;
	s1 =	sadd.s32 s1, s30  }
0xba: {  	s0 =	sor.u32 s3, s0;
	s1 =	sshll.u32 s1, $0x11  }
0xbb: {  	s0 =	sor.u32 s1, s0  }
0xbc: {  	s0 =	sadd.s32 $0x8F2B, s0  }
0xbd: {  	[sflag:s0] =	ssyncadd.remote.s32 $0x1  }
0xbe: {  	_ =	sfence.sel $0xFFFF  }
0xbf: {  	[dreg:$0x0] =	wrdreg $0xFFFFFFFF;
	(pc) =	sbr.abs _section_cstart, $3  }
0xc0: {  	[dreg:$0x1] =	wrdreg $0xFFFFFFFF  }
0xc1: {  	_ =	task.clear_ibuf [dreg:s7], $0x2FFFF;
	_ =	strace $0x9FFFFFFF  }
0xc2: {  	(tm) =	ssettm $0x7FFFFFFF  }
0xc3: {  	_ =	shalt  }
tec
execute0_lowered:
.L_overlay_start_1:
0x0: {  	(tag) =	ssettag $0x1  }
0x1: {  	s0 =	rddreg [dreg:$0x0];
	s1 =	srdreg.scid  }
0x2: {  	s8 =	stileid.u32;
	s4 =	rddreg [dreg:$0x1]  }
0x3: {  	s2 =	simm.s32 $0x0;
	s22 =	simm.s32 $0x100;
	s29 =	simm.s32 $0x9D00  }
0x4: {  	s30 =	simm.s32 $0xA500;
	s31 =	simm.s32 $0xAD00;
	s21 =	simm.s32 $0xB500  }
0x5: {  	s23 =	simm.s32 $0xC500;
	s24 =	simm.s32 $0x3;
	s1 =	sand.u32 $0x1, s1  }
0x6: {  	s3 =	sshll.u32 s8, $0x1;
	[smem:$0x7FF] =	sst s2;
	s17 =	sadd.s32 $0x271200, s4  }
0x7: {  	s25 =	smul.u32 $0x190, s8;
	s8 =	sadd.s32 $0x600, s4;
	s9 =	sadd.s32 $0x700, s4  }
0x8: {  	s10 =	sadd.s32 $0x800, s4;
	s11 =	sadd.s32 $0x900, s4;
	s12 =	sadd.s32 $0xA00, s4  }
0x9: {  	s13 =	sadd.s32 $0xB00, s4;
	s14 =	sadd.s32 $0xC00, s4;
	s16 =	sadd.s32 $0xE00, s4  }
0xa: {  	s3 =	sor.u32 s1, s3;
	s6 =	ssub.s32 $0x2, s1;
	s1 =	smul.u32 $0xC8, s1  }
0xb: {  	_ =	strace $0x80000047;
	s5 =	smul.u32 $0xC8, s3;
	s7 =	sshrl.u32 s6, $0x1  }
0xc: {  	s3 =	sadd.s32 $0x200, s4;
	s18 =	ssub.s32 s6, s7;
	s6 =	sadd.s32 $0x400, s4  }
0xd: {  	s7 =	sadd.s32 $0x500, s4;
	s15 =	sshrl.u32 s5, $0x3;
	s5 =	sadd.s32 $0x300, s4  }
0xe: {  	s28 =	smax.u32 s18, $0x1;
	s18 =	simm.s32 $0x6500;
	s0 =	sadd.s32 s0, s15  }
0xf: {  	s19 =	smul.u32 $0xC80, s15;
	s15 =	sadd.s32 $0xD00, s4;
	[dreg:$0x5] =	wrdreg s28  }
0x10: {  	[dreg:$0x3] =	wrdreg s0;
	s0 =	sadd.s32 s1, s25;
	s25 =	simm.s32 $0x4  }
.Ltmp0:
0x11: {  	s1 =	sadd.s32 $0x8, s0;
	s0 =	sshrl.u32 s0, $0x3;
	(pc) =	sbr.rel .LBB2_1-.Ltmp0, $4  }
0x12: {  	s26 =	sadd.s32 s17, s19;
	s1 =	sshrl.u32 s1, $0x3;
	s0 =	smul.u32 $0xC80, s0  }
0x13: {  	v0 =	vlaneseq.u32;
	s4 =	sadd.s32 $0x12C00, s26;
	s26 =	simm.s32 $0x0;
	s1 =	smul.u32 $0xC80, s1  }
0x14: {  	vm0 =	vmmov $0xff;
	v1 =	vshrl.u32 v0, $0x3;
	[dreg:$0x4] =	wrdreg s4;
	s4 =	simm.s32 $0x2;
	s20 =	sadd.s32 s0, s17  }
0x15: {  	vm1 =	vmmov $0xffff;
	v0 =	vand.u32 $0x7, v0;
	v1 =	vmul.u32 $0x8, v1;
	s0 =	simm.s32 $0x1;
	s19 =	sadd.s32 s1, s17;
	s1 =	simm.s32 $0xBD00  }
.LBB2_4:
0x16: {  	_ =	swait.ge [sflag:s0], $0x6400  }
0x17: {  	[sflag:s0] =	ssyncset.done $0x0  }
0x18: {  	s17 =	rddreg [dreg:$0x4];
	[sflag:s0] =	ssyncadd.s32 $0xFFFF9C00  }
0x19: {  	[hbm4b:s17+s2] =	stream.linear.scatter [tilespmem:s22], [sflag:$0x3], $0x6400, $0x38;
	[tilespmem:$0xC900] =	vst v63  }
0x1a: {  	_ =	swait.ge [sflag:s25], $0x6400  }
0x1b: {  	[sflag:s25] =	ssyncset.done $0x0  }
0x1c: {  	[sflag:s25] =	ssyncadd.s32 $0xFFFF9C00  }
0x1d: {  	_ =	swait.ge [sflag:s24], $0x6400  }
0x1e: {  	s26 =	rddreg [dreg:$0x6]  }
0x1f: {  	s28 =	rddreg [dreg:$0x5];
	s26 =	sadd.s32 $0x1, s26  }
0x20: {  	p0 =	sne.s32 s26, s28  }
.Ltmp1:
0x21: {  	_ = 	snop;
	(pc) =	sbr.rel @!p0 .LBB2_5-.Ltmp1, $3  }
0x22: {  	_ =	sdelay $0x1  }
0x23: {  	[sflag:s24] =	ssyncset.done $0x0  }
0x24: {  	[sflag:s24] =	ssyncadd.s32 $0xFFFF9C00  }
.LBB2_1:
0x25: {  	[dreg:$0x6] =	wrdreg s26  }
0x26: {  	s17 =	rddreg [dreg:$0x3];
	s28 =	simm.s32 $0x5  }
0x27: {  	[tilespmem:s2], [sflag:$0x5] =	stream.linear.gather [hbm4b:s17+s2], $0xC8, $0x38;
	[tilespmem:$0xC900] =	vst v63  }
0x28: {  	_ =	swait.ge [sflag:s28], $0xC8  }
0x29: {  	[sflag:s28] =	ssyncset.done $0x0  }
0x2a: {  	[sflag:s28] =	ssyncadd.s32 $0xFFFFFF38  }
0x2b: {  	v2 =	vld.msk [tilespmem:$0x0], $0xff;
	_ =	sdelay $0x4  }
0x2c: {  	v3 =	vshrl.u32 v2, $0x3  }
0x2d: {  	v3 =	vmul.u32 $0xC8, v3  }
0x2e: {  	v2 =	vand.u32 $0x7, v2  }
0x2f: {  	v2 =	vor.u32 v2, v3  }
0x30: {  	v2 =	vperm.xlane v2, v0;
	_ =	sdelay $0x1  }
0x31: {  	v2 =	vadd.s32 v1, v2;
	_ =	sdelay $0x4  }
0x32: {  	[tilespmem:s22], [sflag:$0x1] =	stream.indirect_vreg.gather [hbm4b:s3+s2], $0x80, v2, vm1, $0xb8;
	[tilespmem:$0xC900] =	vst v63  }
0x33: {  	s26 =	simm.s32 $0x900  }
0x34: {  	[tilespmem:s26], [sflag:$0x1] =	stream.indirect_vreg.gather [hbm4b:s5+s2], $0x80, v2, vm1, $0xb8;
	[tilespmem:$0xC900] =	vst v63  }
0x35: {  	s28 =	simm.s32 $0x1100  }
0x36: {  	[tilespmem:s28], [sflag:$0x1] =	stream.indirect_vreg.gather [hbm4b:s6+s2], $0x80, v2, vm1, $0xb8;
	[tilespmem:$0xC900] =	vst v63  }
0x37: {  	s26 =	simm.s32 $0x1900  }
0x38: {  	[tilespmem:s26], [sflag:$0x1] =	stream.indirect_vreg.gather [hbm4b:s7+s2], $0x80, v2, vm1, $0xb8;
	[tilespmem:$0xC900] =	vst v63  }
0x39: {  	s28 =	simm.s32 $0x2100  }
0x3a: {  	[tilespmem:s28], [sflag:$0x1] =	stream.indirect_vreg.gather [hbm4b:s8+s2], $0x80, v2, vm1, $0xb8;
	[tilespmem:$0xC900] =	vst v63  }
0x3b: {  	s26 =	simm.s32 $0x2900  }
0x3c: {  	[tilespmem:s26], [sflag:$0x1] =	stream.indirect_vreg.gather [hbm4b:s9+s2], $0x80, v2, vm1, $0xb8;
	[tilespmem:$0xC900] =	vst v63  }
0x3d: {  	s28 =	simm.s32 $0x3100  }
0x3e: {  	[tilespmem:s28], [sflag:$0x1] =	stream.indirect_vreg.gather [hbm4b:s10+s2], $0x80, v2, vm1, $0xb8;
	[tilespmem:$0xC900] =	vst v63  }
0x3f: {  	s26 =	simm.s32 $0x3900  }
0x40: {  	[tilespmem:s26], [sflag:$0x1] =	stream.indirect_vreg.gather [hbm4b:s11+s2], $0x80, v2, vm1, $0xb8;
	[tilespmem:$0xC900] =	vst v63  }
0x41: {  	s28 =	simm.s32 $0x4100  }
0x42: {  	[tilespmem:s28], [sflag:$0x1] =	stream.indirect_vreg.gather [hbm4b:s12+s2], $0x80, v2, vm1, $0xb8;
	[tilespmem:$0xC900] =	vst v63  }
0x43: {  	s26 =	simm.s32 $0x4900  }
0x44: {  	[tilespmem:s26], [sflag:$0x1] =	stream.indirect_vreg.gather [hbm4b:s13+s2], $0x80, v2, vm1, $0xb8;
	[tilespmem:$0xC900] =	vst v63  }
0x45: {  	s28 =	simm.s32 $0x5100  }
0x46: {  	[tilespmem:s28], [sflag:$0x1] =	stream.indirect_vreg.gather [hbm4b:s14+s2], $0x80, v2, vm1, $0xb8;
	[tilespmem:$0xC900] =	vst v63  }
0x47: {  	s26 =	simm.s32 $0x5900  }
0x48: {  	[tilespmem:s26], [sflag:$0x1] =	stream.indirect_vreg.gather [hbm4b:s15+s2], $0x80, v2, vm1, $0xb8;
	[tilespmem:$0xC900] =	vst v63  }
0x49: {  	s28 =	simm.s32 $0x6100  }
0x4a: {  	[tilespmem:s28], [sflag:$0x1] =	stream.indirect_vreg.gather [hbm4b:s16+s2], $0x80, v2, vm0, $0xb8;
	[tilespmem:$0xC900] =	vst v63  }
0x4b: {  	v2 =	vld.msk [tilespmem:$0x8], $0xff;
	_ =	sdelay $0x4  }
0x4c: {  	v3 =	vshrl.u32 v2, $0x3  }
0x4d: {  	v3 =	vmul.u32 $0xC8, v3  }
0x4e: {  	v2 =	vand.u32 $0x7, v2  }
0x4f: {  	v2 =	vor.u32 v2, v3  }
0x50: {  	v2 =	vperm.xlane v2, v0;
	_ =	sdelay $0x1  }
0x51: {  	v2 =	vadd.s32 v1, v2;
	_ =	sdelay $0x4  }
0x52: {  	[tilespmem:s18], [sflag:$0x2] =	stream.indirect_vreg.gather [hbm4b:s3+s2], $0x80, v2, vm1, $0xb8;
	[tilespmem:$0xC900] =	vst v63  }
0x53: {  	s26 =	simm.s32 $0x6D00  }
0x54: {  	[tilespmem:s26], [sflag:$0x2] =	stream.indirect_vreg.gather [hbm4b:s5+s2], $0x80, v2, vm1, $0xb8;
	[tilespmem:$0xC900] =	vst v63  }
0x55: {  	s28 =	simm.s32 $0x7500  }
0x56: {  	[tilespmem:s28], [sflag:$0x2] =	stream.indirect_vreg.gather [hbm4b:s6+s2], $0x80, v2, vm1, $0xb8;
	[tilespmem:$0xC900] =	vst v63  }
0x57: {  	s26 =	simm.s32 $0x7D00  }
0x58: {  	[tilespmem:s26], [sflag:$0x2] =	stream.indirect_vreg.gather [hbm4b:s7+s2], $0x80, v2, vm1, $0xb8;
	[tilespmem:$0xC900] =	vst v63  }
0x59: {  	s28 =	simm.s32 $0x8500  }
0x5a: {  	[tilespmem:s28], [sflag:$0x2] =	stream.indirect_vreg.gather [hbm4b:s8+s2], $0x80, v2, vm1, $0xb8;
	[tilespmem:$0xC900] =	vst v63  }
0x5b: {  	s26 =	simm.s32 $0x8D00  }
0x5c: {  	[tilespmem:s26], [sflag:$0x2] =	stream.indirect_vreg.gather [hbm4b:s9+s2], $0x80, v2, vm1, $0xb8;
	[tilespmem:$0xC900] =	vst v63  }
0x5d: {  	s28 =	simm.s32 $0x9500  }
0x5e: {  	[tilespmem:s28], [sflag:$0x2] =	stream.indirect_vreg.gather [hbm4b:s10+s2], $0x80, v2, vm1, $0xb8;
	[tilespmem:$0xC900] =	vst v63  }
0x5f: {  	_ = 	snop  }
0x60: {  	[tilespmem:s29], [sflag:$0x2] =	stream.indirect_vreg.gather [hbm4b:s11+s2], $0x80, v2, vm1, $0xb8;
	[tilespmem:$0xC900] =	vst v63  }
0x61: {  	_ = 	snop  }
0x62: {  	[tilespmem:s30], [sflag:$0x2] =	stream.indirect_vreg.gather [hbm4b:s12+s2], $0x80, v2, vm1, $0xb8;
	[tilespmem:$0xC900] =	vst v63  }
0x63: {  	_ = 	snop  }
0x64: {  	[tilespmem:s31], [sflag:$0x2] =	stream.indirect_vreg.gather [hbm4b:s13+s2], $0x80, v2, vm1, $0xb8;
	[tilespmem:$0xC900] =	vst v63  }
0x65: {  	_ = 	snop  }
0x66: {  	[tilespmem:s21], [sflag:$0x2] =	stream.indirect_vreg.gather [hbm4b:s14+s2], $0x80, v2, vm1, $0xb8;
	[tilespmem:$0xC900] =	vst v63  }
0x67: {  	_ = 	snop  }
0x68: {  	[tilespmem:s1], [sflag:$0x2] =	stream.indirect_vreg.gather [hbm4b:s15+s2], $0x80, v2, vm1, $0xb8;
	[tilespmem:$0xC900] =	vst v63  }
0x69: {  	s17 =	simm.s32 $0x18;
	s26 =	simm.s32 $0x0  }
0x6a: {  	[tilespmem:s23], [sflag:$0x2] =	stream.indirect_vreg.gather [hbm4b:s16+s2], $0x80, v2, vm0, $0xb8;
	[tilespmem:$0xC900] =	vst v63  }
.LBB2_2:
0x6b: {  	_ =	swait.ge [sflag:s0], $0x6400  }
0x6c: {  	[sflag:s0] =	ssyncset.done $0x0  }
0x6d: {  	s28 =	sadd.s32 s26, s20;
	[sflag:s0] =	ssyncadd.s32 $0xFFFF9C00  }
0x6e: {  	[hbm4b:s28+s2] =	stream.linear.scatter [tilespmem:s22], [sflag:$0x3], $0x6400, $0x38;
	[tilespmem:$0xC900] =	vst v63  }
0x6f: {  	_ =	swait.ge [sflag:s24], $0x6400  }
0x70: {  	[sflag:s24] =	ssyncset.done $0x0  }
0x71: {  	[sflag:s24] =	ssyncadd.s32 $0xFFFF9C00  }
0x72: {  	v2 =	vld.msk [tilespmem:s17+$0xFFFFFFF8], $0xff;
	_ =	sdelay $0x4  }
0x73: {  	v3 =	vshrl.u32 v2, $0x3  }
0x74: {  	v3 =	vmul.u32 $0xC8, v3  }
0x75: {  	v2 =	vand.u32 $0x7, v2  }
0x76: {  	v2 =	vor.u32 v2, v3  }
0x77: {  	v2 =	vperm.xlane v2, v0;
	_ =	sdelay $0x1  }
0x78: {  	v2 =	vadd.s32 v1, v2;
	_ =	sdelay $0x4  }
0x79: {  	[tilespmem:s22], [sflag:$0x1] =	stream.indirect_vreg.gather [hbm4b:s3+s2], $0x80, v2, vm1, $0xb8;
	[tilespmem:$0xC900] =	vst v63  }
0x7a: {  	s28 =	simm.s32 $0x900  }
0x7b: {  	[tilespmem:s28], [sflag:$0x1] =	stream.indirect_vreg.gather [hbm4b:s5+s2], $0x80, v2, vm1, $0xb8;
	[tilespmem:$0xC900] =	vst v63  }
0x7c: {  	s28 =	simm.s32 $0x1100  }
0x7d: {  	[tilespmem:s28], [sflag:$0x1] =	stream.indirect_vreg.gather [hbm4b:s6+s2], $0x80, v2, vm1, $0xb8;
	[tilespmem:$0xC900] =	vst v63  }
0x7e: {  	s28 =	simm.s32 $0x1900  }
0x7f: {  	[tilespmem:s28], [sflag:$0x1] =	stream.indirect_vreg.gather [hbm4b:s7+s2], $0x80, v2, vm1, $0xb8;
	[tilespmem:$0xC900] =	vst v63  }
0x80: {  	s28 =	simm.s32 $0x2100  }
0x81: {  	[tilespmem:s28], [sflag:$0x1] =	stream.indirect_vreg.gather [hbm4b:s8+s2], $0x80, v2, vm1, $0xb8;
	[tilespmem:$0xC900] =	vst v63  }
0x82: {  	s28 =	simm.s32 $0x2900  }
0x83: {  	[tilespmem:s28], [sflag:$0x1] =	stream.indirect_vreg.gather [hbm4b:s9+s2], $0x80, v2, vm1, $0xb8;
	[tilespmem:$0xC900] =	vst v63  }
0x84: {  	s28 =	simm.s32 $0x3100  }
0x85: {  	[tilespmem:s28], [sflag:$0x1] =	stream.indirect_vreg.gather [hbm4b:s10+s2], $0x80, v2, vm1, $0xb8;
	[tilespmem:$0xC900] =	vst v63  }
0x86: {  	s28 =	simm.s32 $0x3900  }
0x87: {  	[tilespmem:s28], [sflag:$0x1] =	stream.indirect_vreg.gather [hbm4b:s11+s2], $0x80, v2, vm1, $0xb8;
	[tilespmem:$0xC900] =	vst v63  }
0x88: {  	s28 =	simm.s32 $0x4100  }
0x89: {  	[tilespmem:s28], [sflag:$0x1] =	stream.indirect_vreg.gather [hbm4b:s12+s2], $0x80, v2, vm1, $0xb8;
	[tilespmem:$0xC900] =	vst v63  }
0x8a: {  	s28 =	simm.s32 $0x4900  }
0x8b: {  	[tilespmem:s28], [sflag:$0x1] =	stream.indirect_vreg.gather [hbm4b:s13+s2], $0x80, v2, vm1, $0xb8;
	[tilespmem:$0xC900] =	vst v63  }
0x8c: {  	s28 =	simm.s32 $0x5100  }
0x8d: {  	[tilespmem:s28], [sflag:$0x1] =	stream.indirect_vreg.gather [hbm4b:s14+s2], $0x80, v2, vm1, $0xb8;
	[tilespmem:$0xC900] =	vst v63  }
0x8e: {  	s28 =	simm.s32 $0x5900  }
0x8f: {  	[tilespmem:s28], [sflag:$0x1] =	stream.indirect_vreg.gather [hbm4b:s15+s2], $0x80, v2, vm1, $0xb8;
	[tilespmem:$0xC900] =	vst v63  }
0x90: {  	p0 =	seq.s32 s26, $0x11300;
	s28 =	simm.s32 $0x6100  }
0x91: {  	[tilespmem:s28], [sflag:$0x1] =	stream.indirect_vreg.gather [hbm4b:s16+s2], $0x80, v2, vm0, $0xb8;
	[tilespmem:$0xC900] =	vst v63  }
.Ltmp2:
0x92: {  	_ = 	snop;
	(pc) =	sbr.rel @p0 .LBB2_4-.Ltmp2, $4  }
0x93: {  	_ =	swait.ge [sflag:s4], $0x6400  }
0x94: {  	[sflag:s4] =	ssyncset.done $0x0  }
0x95: {  	s28 =	sadd.s32 s26, s19;
	[sflag:s4] =	ssyncadd.s32 $0xFFFF9C00  }
0x96: {  	[hbm4b:s28+s2] =	stream.linear.scatter [tilespmem:s18], [sflag:$0x4], $0x6400, $0x38;
	[tilespmem:$0xC900] =	vst v63  }
0x97: {  	_ =	swait.ge [sflag:s25], $0x6400  }
0x98: {  	[sflag:s25] =	ssyncset.done $0x0  }
0x99: {  	[sflag:s25] =	ssyncadd.s32 $0xFFFF9C00  }
0x9a: {  	v2 =	vld.msk [tilespmem:s17+$0x0], $0xff;
	_ =	sdelay $0x4  }
0x9b: {  	v3 =	vshrl.u32 v2, $0x3  }
0x9c: {  	v3 =	vmul.u32 $0xC8, v3  }
0x9d: {  	v2 =	vand.u32 $0x7, v2  }
0x9e: {  	v2 =	vor.u32 v2, v3  }
0x9f: {  	v2 =	vperm.xlane v2, v0;
	_ =	sdelay $0x1  }
0xa0: {  	v2 =	vadd.s32 v1, v2;
	_ =	sdelay $0x4  }
0xa1: {  	[tilespmem:s18], [sflag:$0x2] =	stream.indirect_vreg.gather [hbm4b:s3+s2], $0x80, v2, vm1, $0xb8;
	[tilespmem:$0xC900] =	vst v63  }
0xa2: {  	s28 =	simm.s32 $0x6D00  }
0xa3: {  	[tilespmem:s28], [sflag:$0x2] =	stream.indirect_vreg.gather [hbm4b:s5+s2], $0x80, v2, vm1, $0xb8;
	[tilespmem:$0xC900] =	vst v63  }
0xa4: {  	s28 =	simm.s32 $0x7500  }
0xa5: {  	[tilespmem:s28], [sflag:$0x2] =	stream.indirect_vreg.gather [hbm4b:s6+s2], $0x80, v2, vm1, $0xb8;
	[tilespmem:$0xC900] =	vst v63  }
0xa6: {  	s28 =	simm.s32 $0x7D00  }
0xa7: {  	[tilespmem:s28], [sflag:$0x2] =	stream.indirect_vreg.gather [hbm4b:s7+s2], $0x80, v2, vm1, $0xb8;
	[tilespmem:$0xC900] =	vst v63  }
0xa8: {  	s28 =	simm.s32 $0x8500  }
0xa9: {  	[tilespmem:s28], [sflag:$0x2] =	stream.indirect_vreg.gather [hbm4b:s8+s2], $0x80, v2, vm1, $0xb8;
	[tilespmem:$0xC900] =	vst v63  }
0xaa: {  	s28 =	simm.s32 $0x8D00  }
0xab: {  	[tilespmem:s28], [sflag:$0x2] =	stream.indirect_vreg.gather [hbm4b:s9+s2], $0x80, v2, vm1, $0xb8;
	[tilespmem:$0xC900] =	vst v63  }
0xac: {  	s28 =	simm.s32 $0x9500  }
0xad: {  	[tilespmem:s28], [sflag:$0x2] =	stream.indirect_vreg.gather [hbm4b:s10+s2], $0x80, v2, vm1, $0xb8;
	[tilespmem:$0xC900] =	vst v63  }
0xae: {  	_ = 	snop  }
0xaf: {  	[tilespmem:s29], [sflag:$0x2] =	stream.indirect_vreg.gather [hbm4b:s11+s2], $0x80, v2, vm1, $0xb8;
	[tilespmem:$0xC900] =	vst v63  }
0xb0: {  	_ = 	snop  }
0xb1: {  	[tilespmem:s30], [sflag:$0x2] =	stream.indirect_vreg.gather [hbm4b:s12+s2], $0x80, v2, vm1, $0xb8;
	[tilespmem:$0xC900] =	vst v63  }
0xb2: {  	_ = 	snop  }
0xb3: {  	[tilespmem:s31], [sflag:$0x2] =	stream.indirect_vreg.gather [hbm4b:s13+s2], $0x80, v2, vm1, $0xb8;
	[tilespmem:$0xC900] =	vst v63  }
0xb4: {  	_ = 	snop  }
0xb5: {  	[tilespmem:s21], [sflag:$0x2] =	stream.indirect_vreg.gather [hbm4b:s14+s2], $0x80, v2, vm1, $0xb8;
	[tilespmem:$0xC900] =	vst v63  }
.Ltmp3:
0xb6: {  	_ = 	snop;
	(pc) =	sbr.rel .LBB2_2-.Ltmp3, $4  }
0xb7: {  	_ = 	snop  }
0xb8: {  	[tilespmem:s1], [sflag:$0x2] =	stream.indirect_vreg.gather [hbm4b:s15+s2], $0x80, v2, vm1, $0xb8;
	[tilespmem:$0xC900] =	vst v63  }
0xb9: {  	s26 =	sadd.s32 $0x1900, s26;
	s17 =	sadd.s32 $0x10, s17  }
0xba: {  	[tilespmem:s23], [sflag:$0x2] =	stream.indirect_vreg.gather [hbm4b:s16+s2], $0x80, v2, vm0, $0xb8;
	[tilespmem:$0xC900] =	vst v63  }
.LBB2_5:
0xbb: {  	_ =	sfence.sel $0x180000  }
0xbc: {  	[bflag:$0x0] =	sbarrier.arrive $0xFFFF  }
0xbd: {  	_ =	strace $0x90000047  }
0xbe: {  	s0 =	stileid.u32;
	[bflag:$0x2] =	sbarrier.arrive $0xFFFF  }
0xbf: {  	p0 =	sne.s32 s0, $0x0;
	s0 =	rddreg [dreg:$0x2]  }
0xc0: {  	s0 =	sadd.s32 @!p0 $0x100000, s0  }
0xc1: {  	[sflag:s0] =	ssyncadd.tile.s32 @!p0 $0x1;
	_ =	shalt  }
.Lfunc_end2:
_tile_overlayer_lowered:
.L_overlay_start_2:
0xc2: {  	(tag) =	ssettag $0x2  }
0xc3: {  	s0 =	rddreg [dreg:$0x0];
	s2 =	stileid.u32  }
0xc4: {  	s1 =	rddreg [dreg:$0x1];
	p0 =	sne.s32 s2, $0x0  }
0xc5: {  	s3 =	rddreg [dreg:$0x2];
	[bflag:$0x3] =	sbarrier.arrive $0xFFFF;
	s2 =	simm.s32 @!p0 $0x1C05  }
0xc6: {  	[timem:s3], [sflag:s2] =	dma.local @!p0 [hbm:s0], s1  }
0xc7: {  	s0 =	simm.s32 @!p0 $0x5  }
0xc8: {  	_ =	swait.ge @!p0 [sflag:s0], s1  }
0xc9: {  	s1 =	ssub.s32 @!p0 $0x0, s1;
	[sflag:s0] =	ssyncset.done @!p0 $0x0  }
0xca: {  	[sflag:s0] =	ssyncadd.s32 @!p0 s1  }
0xcb: {  	[bflag:$0x3] =	sbarrier.arrive $0xFFFF  }
0xcc: {  	_ =	shalt  }

</sc_bundles>
